<compile_context>
chip_gen: v7x
topology: tpu7x:2x2x1
jax: 0.10.2.dev20260603
libtpu: 0.0.44.dev20260713+nightly
codegen_flags: <defaults>
</compile_context>

<pallas_src>
import functools

import jax
import jax.numpy as jnp
from jax import lax
from jax.experimental import pallas as pl
from jax.experimental.pallas import tpu as pltpu
from jax.experimental.pallas import tpu_sc as plsc

N_ATOMS = 100000
N_MOL = 5000
NF = 128

BLK = 4000
GRID = 25
NS = 16
NWALL = 32
PER_W = 3120
TAIL_W = 31
TAIL_START = TAIL_W * PER_W
TAIL = N_ATOMS - TAIL_START
ACC = N_MOL + 8


def _dense_body(f0, f1, f2, ch, w0, w1, w2, b1, b2, pe):
    t = (
        jnp.dot(f0[...], w0[...], preferred_element_type=jnp.float32)
        + jnp.dot(f1[...], w1[...], preferred_element_type=jnp.float32)
        + jnp.dot(f2[...], w2[...], preferred_element_type=jnp.float32)
        + b1[0, 0]
        + b2[0, 0]
    )
    tr = t.reshape(1, 1, BLK)
    pe[...] = (tr * ch[...]) ** 2 + tr


def _dense_call(f0, f1, f2, charges, w0, w1, w2, b1, b2):
    return pl.pallas_call(
        _dense_body,
        grid=(GRID,),
        in_specs=[
            pl.BlockSpec((BLK, NF), lambda i: (i, 0)),
            pl.BlockSpec((BLK, NF), lambda i: (i, 0)),
            pl.BlockSpec((BLK, NF), lambda i: (i, 0)),
            pl.BlockSpec((1, 1, BLK), lambda i: (i, 0, 0)),
            pl.BlockSpec((NF, 1), lambda i: (0, 0)),
            pl.BlockSpec((NF, 1), lambda i: (0, 0)),
            pl.BlockSpec((NF, 1), lambda i: (0, 0)),
            pl.BlockSpec((1, 1), lambda i: (0, 0)),
            pl.BlockSpec((1, 1), lambda i: (0, 0)),
        ],
        out_specs=pl.BlockSpec((1, 1, BLK), lambda i: (i, 0, 0)),
        out_shape=jax.ShapeDtypeStruct((GRID, 1, BLK), jnp.float32),
    )(f0, f1, f2, charges, w0, w1, w2, b1, b2)


@functools.partial(
    pl.kernel,
    mesh=plsc.VectorSubcoreMesh(core_axis_name="c", subcore_axis_name="s"),
    out_type=jax.ShapeDtypeStruct((2, ACC), jnp.float32),
    scratch_types=[
        pltpu.VMEM((PER_W,), jnp.int32),
        pltpu.VMEM((PER_W,), jnp.float32),
        pltpu.VMEM((TAIL,), jnp.int32),
        pltpu.VMEM((TAIL,), jnp.float32),
        pltpu.VMEM((ACC,), jnp.float32),
        pltpu.VMEM_SHARED((ACC,), jnp.float32),
    ],
)
def _sc_segsum(idx_hbm, en_hbm, out_hbm, idx_v, en_v, idx_t, en_t, zbuf, accum):
    cid = lax.axis_index("c")
    sid = lax.axis_index("s")
    wid = cid * NS + sid

    @pl.when(sid == 0)
    def _():
        def zb(i, c):
            zbuf[pl.ds(i * 16, 16)] = jnp.zeros((16,), jnp.float32)
            return c

        lax.fori_loop(0, ACC // 16, zb, 0)
        pltpu.sync_copy(zbuf, accum)

    @pl.when(wid < TAIL_W)
    def _():
        start = wid * PER_W
        pltpu.sync_copy(idx_hbm.at[pl.ds(start, PER_W)], idx_v)
        pltpu.sync_copy(en_hbm.at[pl.ds(start, PER_W)], en_v)

    @pl.when(wid == TAIL_W)
    def _():
        pltpu.sync_copy(idx_hbm.at[pl.ds(TAIL_START, TAIL)], idx_t)
        pltpu.sync_copy(en_hbm.at[pl.ds(TAIL_START, TAIL)], en_t)

    plsc.subcore_barrier()

    @pl.when(wid < TAIL_W)
    def _():
        pltpu.sync_copy(en_v, accum.at[idx_v], add=True)

    @pl.when(wid == TAIL_W)
    def _():
        pltpu.sync_copy(en_t, accum.at[idx_t], add=True)

    plsc.subcore_barrier()

    @pl.when(sid == 0)
    def _():
        pltpu.sync_copy(accum, out_hbm.at[cid])


def kernel(charges, f0, f1, f2, Wl0, Wl1, Wl2, bl1, bl2, mol_index, n_molecules):
    pe = _dense_call(
        f0, f1, f2, charges.reshape(GRID, 1, BLK), Wl0, Wl1, Wl2,
        bl1.reshape(1, 1), bl2.reshape(1, 1),
    )
    flat = pe.reshape(N_ATOMS)
    ae = flat.reshape(N_ATOMS, 1)
    acc = _sc_segsum(mol_index.astype(jnp.int32), flat)
    mol = (acc[0, :N_MOL] + acc[1, :N_MOL]).reshape(N_MOL, 1)
    return (mol, ae)

# --- scband reference (transcript-rebuilt; emitter-appended) ---
"""Pipeline reference for scband-local-charge-energy-549755813995 (READ-ONLY COPY).

The authoritative reference and input builder live on the scoring server;
editing this copy changes nothing except your own understanding.
"""

import jax, jax.numpy as jnp
import numpy as np

N_ATOMS = 100000
N_MOL = 5000
FEATURE_SIZES = [128, 128, 128]


def setup_inputs(seed: int = 0) -> dict:
    key = jax.random.key(seed)
    ks = jax.random.split(key, 12)
    charges = jax.random.normal(ks[0], (N_ATOMS, 1), dtype=jnp.float32)
    f0 = jax.random.normal(ks[1], (N_ATOMS, FEATURE_SIZES[0]), dtype=jnp.float32)
    f1 = jax.random.normal(ks[2], (N_ATOMS, FEATURE_SIZES[1]), dtype=jnp.float32)
    f2 = jax.random.normal(ks[3], (N_ATOMS, FEATURE_SIZES[2]), dtype=jnp.float32)
    mol_index = jnp.sort(jax.random.randint(ks[4], (N_ATOMS,), 0, N_MOL, dtype=jnp.int32))
    # Linear layer params (out_features=1). first_is_interacting=False -> layer 0 has no bias.
    Wl0 = jax.random.normal(ks[5], (FEATURE_SIZES[0], 1), dtype=jnp.float32) * 0.05
    Wl1 = jax.random.normal(ks[6], (FEATURE_SIZES[1], 1), dtype=jnp.float32) * 0.05
    Wl2 = jax.random.normal(ks[7], (FEATURE_SIZES[2], 1), dtype=jnp.float32) * 0.05
    bl1 = jax.random.normal(ks[8], (1,), dtype=jnp.float32) * 0.05
    bl2 = jax.random.normal(ks[9], (1,), dtype=jnp.float32) * 0.05
    return {
        "charges": charges,
        "f0": f0, "f1": f1, "f2": f2,
        "Wl0": Wl0, "Wl1": Wl1, "Wl2": Wl2,
        "bl1": bl1, "bl2": bl2,
        "mol_index": mol_index,
        "n_molecules": N_MOL,
    }


def reference(charges, f0, f1, f2, Wl0, Wl1, Wl2, bl1, bl2, mol_index, n_molecules):
    # partial linear terms: Linear(nf, 1) per feature block (layer 0 biasless)
    t0 = f0 @ Wl0
    t1 = f1 @ Wl1 + bl1
    t2 = f2 @ Wl2 + bl2
    total_lin = t0 + t1 + t2
    # NOTE: faithful to original code, which (apparently a bug kept intact)
    # computes partial_quad_terms with self.layers_lin as well.
    total_quad = t0 + t1 + t2
    atom_charge_energy = (total_quad * charges) ** 2 + total_lin
    # MolSummer: scatter-add atoms into molecules (segment sum)
    n_mol_zero = n_molecules - n_molecules
    molecule_charge_energy = jax.ops.segment_sum(
        atom_charge_energy, mol_index + n_mol_zero, num_segments=N_MOL
    )
    return (molecule_charge_energy, atom_charge_energy)

if __name__ == "__main__":
    import jax
    _d = setup_inputs()
    print(jax.jit(kernel)(*tuple(_d.values())))

</pallas_src>

<mosaic_0001>
#map = affine_map<(d0, d1) -> (0)>
#map1 = affine_map<(d0, d1) -> (0, 0)>
module attributes {stable_mosaic.version = 14 : i64} {
  func.func @_sc_segsum(%arg0: i32, %arg1: i32, %arg2: memref<100000xi32, #tpu.memory_space<hbm>>, %arg3: memref<100000xf32, #tpu.memory_space<hbm>>, %arg4: memref<2x5008xf32, #tpu.memory_space<hbm>>, %arg5: memref<3120xi32, #tpu.memory_space<vmem>>, %arg6: memref<3120xf32, #tpu.memory_space<vmem>>, %arg7: memref<3280xi32, #tpu.memory_space<vmem>>, %arg8: memref<3280xf32, #tpu.memory_space<vmem>>, %arg9: memref<5008xf32, #tpu.memory_space<vmem>>, %arg10: memref<5008xf32, #tpu.memory_space<vmem_shared>>) attributes {dimension_semantics = [#tpu.dimension_semantics<core_parallel>, #tpu.dimension_semantics<subcore_parallel>], iteration_bounds = array<i64: 2, 16>, scalar_prefetch = 0 : i64, scratch_operands = 6 : i64, tpu.core_type = #tpu.core_type<sc_vector_subcore>, window_params = [{transform_indices = #map}, {transform_indices = #map}, {transform_indices = #map1}]} {
    %mul3A = arith.constant 16 : i32
    %mul3A_0 = arith.muli %arg0, %mul3A : i32
    %add3A = arith.addi %mul3A_0, %arg1 : i32
    %eq3A = arith.constant 0 : i32
    %eq3A_1 = arith.cmpi eq, %arg1, %eq3A : i32
    %convert_element_type3A = arith.extui %eq3A_1 : i1 to i32
    %cond3A = arith.constant 0 : i32
    %cond3A_2 = arith.cmpi ne, %convert_element_type3A, %cond3A : i32
    scf.if %cond3A_2 {
      %scan3A = arith.constant 0 : i32
      %scan3A_28 = arith.constant 0 : i32
      %scan3A_29 = arith.constant 313 : i32
      %scan3A_30 = arith.addi %scan3A_28, %scan3A_29 : i32
      %scan3A_31 = arith.constant 1 : i32
      scf.for %scan3A_33 = %scan3A_28 to %scan3A_30 step %scan3A_31  : i32 {
        %broadcast_in_dim3A = arith.constant 0.000000e+00 : f32
        %broadcast_in_dim3A_34 = vector.broadcast %broadcast_in_dim3A : f32 to vector<16xf32>
        %mul3A_35 = arith.constant 16 : i32
        %mul3A_36 = arith.muli %scan3A_33, %mul3A_35 : i32
        %swap3A = arith.index_cast %mul3A_36 : i32 to index
        %swap3A_37 = tpu.vector_load %arg9[%swap3A] {strides = array<i32>} : memref<5008xf32, #tpu.memory_space<vmem>>, vector<16xf32>,
        %swap3A_38 = vector.shape_cast %swap3A_37 : vector<16xf32> to vector<16xf32>
        %swap3A_39 = vector.shape_cast %broadcast_in_dim3A_34 : vector<16xf32> to vector<16xf32>
        tpu.vector_store %arg9[%swap3A], %swap3A_39 {strides = array<i32>} : memref<5008xf32, #tpu.memory_space<vmem>>, vector<16xf32>,
      }
      %scan3A_32 = arith.constant 313 : i32
      "tpu.region"() ({
        %run_scoped3A = tpu.sem_alloc : memref<!tpu.dma_semaphore, #tpu.memory_space<semaphore_mem>>
        tpu.enqueue_dma source(%arg9 : memref<5008xf32, #tpu.memory_space<vmem>>) target(%arg10 : memref<5008xf32, #tpu.memory_space<vmem_shared>>) target_semaphore(%run_scoped3A : memref<!tpu.dma_semaphore, #tpu.memory_space<semaphore_mem>>)
        tpu.wait_dma2 semaphore(%run_scoped3A : memref<!tpu.dma_semaphore, #tpu.memory_space<semaphore_mem>>) src(%arg9 : memref<5008xf32, #tpu.memory_space<vmem>>) dst(%arg10 : memref<5008xf32, #tpu.memory_space<vmem_shared>>)
        tpu.yield
      }) : () -> ()
    } else {
    }
    %lt3A = arith.constant 31 : i32
    %lt3A_3 = arith.cmpi slt, %add3A, %lt3A : i32
    %convert_element_type3A_4 = arith.extui %lt3A_3 : i1 to i32
    %cond3A_5 = arith.constant 0 : i32
    %cond3A_6 = arith.cmpi ne, %convert_element_type3A_4, %cond3A_5 : i32
    scf.if %cond3A_6 {
      %mul3A_28 = arith.constant 3120 : i32
      %mul3A_29 = arith.muli %add3A, %mul3A_28 : i32
      "tpu.region"() ({
        %run_scoped3A = tpu.sem_alloc : memref<!tpu.dma_semaphore, #tpu.memory_space<semaphore_mem>>
        %dma_start3A = tpu.memref_slice %arg2[%mul3A_29] : memref<100000xi32, #tpu.memory_space<hbm>> -> memref<3120xi32, #tpu.memory_space<hbm>>
        %dma_start3A_30 = tpu.memref_slice %arg2[%mul3A_29] : memref<100000xi32, #tpu.memory_space<hbm>> -> memref<3120xi32, #tpu.memory_space<hbm>>
        tpu.enqueue_dma source(%dma_start3A_30 : memref<3120xi32, #tpu.memory_space<hbm>>) target(%arg5 : memref<3120xi32, #tpu.memory_space<vmem>>) target_semaphore(%run_scoped3A : memref<!tpu.dma_semaphore, #tpu.memory_space<semaphore_mem>>)
        %dma_wait3A = tpu.memref_slice %arg2[%mul3A_29] : memref<100000xi32, #tpu.memory_space<hbm>> -> memref<3120xi32, #tpu.memory_space<hbm>>
        %dma_wait3A_31 = tpu.memref_slice %arg2[%mul3A_29] : memref<100000xi32, #tpu.memory_space<hbm>> -> memref<3120xi32, #tpu.memory_space<hbm>>
        tpu.wait_dma2 semaphore(%run_scoped3A : memref<!tpu.dma_semaphore, #tpu.memory_space<semaphore_mem>>) src(%dma_wait3A_31 : memref<3120xi32, #tpu.memory_space<hbm>>) dst(%arg5 : memref<3120xi32, #tpu.memory_space<vmem>>)
        tpu.yield
      }) : () -> ()
      "tpu.region"() ({
        %run_scoped3A = tpu.sem_alloc : memref<!tpu.dma_semaphore, #tpu.memory_space<semaphore_mem>>
        %dma_start3A = tpu.memref_slice %arg3[%mul3A_29] : memref<100000xf32, #tpu.memory_space<hbm>> -> memref<3120xf32, #tpu.memory_space<hbm>>
        %dma_start3A_30 = tpu.memref_slice %arg3[%mul3A_29] : memref<100000xf32, #tpu.memory_space<hbm>> -> memref<3120xf32, #tpu.memory_space<hbm>>
        tpu.enqueue_dma source(%dma_start3A_30 : memref<3120xf32, #tpu.memory_space<hbm>>) target(%arg6 : memref<3120xf32, #tpu.memory_space<vmem>>) target_semaphore(%run_scoped3A : memref<!tpu.dma_semaphore, #tpu.memory_space<semaphore_mem>>)
        %dma_wait3A = tpu.memref_slice %arg3[%mul3A_29] : memref<100000xf32, #tpu.memory_space<hbm>> -> memref<3120xf32, #tpu.memory_space<hbm>>
        %dma_wait3A_31 = tpu.memref_slice %arg3[%mul3A_29] : memref<100000xf32, #tpu.memory_space<hbm>> -> memref<3120xf32, #tpu.memory_space<hbm>>
        tpu.wait_dma2 semaphore(%run_scoped3A : memref<!tpu.dma_semaphore, #tpu.memory_space<semaphore_mem>>) src(%dma_wait3A_31 : memref<3120xf32, #tpu.memory_space<hbm>>) dst(%arg6 : memref<3120xf32, #tpu.memory_space<vmem>>)
        tpu.yield
      }) : () -> ()
    } else {
    }
    %eq3A_7 = arith.constant 31 : i32
    %eq3A_8 = arith.cmpi eq, %add3A, %eq3A_7 : i32
    %convert_element_type3A_9 = arith.extui %eq3A_8 : i1 to i32
    %cond3A_10 = arith.constant 0 : i32
    %cond3A_11 = arith.cmpi ne, %convert_element_type3A_9, %cond3A_10 : i32
    scf.if %cond3A_11 {
      "tpu.region"() ({
        %run_scoped3A = tpu.sem_alloc : memref<!tpu.dma_semaphore, #tpu.memory_space<semaphore_mem>>
        %dma_start3A = arith.constant 96720 : i32
        %dma_start3A_28 = tpu.memref_slice %arg2[%dma_start3A] : memref<100000xi32, #tpu.memory_space<hbm>> -> memref<3280xi32, #tpu.memory_space<hbm>>
        %dma_start3A_29 = arith.constant 96720 : i32
        %dma_start3A_30 = tpu.memref_slice %arg2[%dma_start3A_29] : memref<100000xi32, #tpu.memory_space<hbm>> -> memref<3280xi32, #tpu.memory_space<hbm>>
        tpu.enqueue_dma source(%dma_start3A_30 : memref<3280xi32, #tpu.memory_space<hbm>>) target(%arg7 : memref<3280xi32, #tpu.memory_space<vmem>>) target_semaphore(%run_scoped3A : memref<!tpu.dma_semaphore, #tpu.memory_space<semaphore_mem>>)
        %dma_wait3A = arith.constant 96720 : i32
        %dma_wait3A_31 = tpu.memref_slice %arg2[%dma_wait3A] : memref<100000xi32, #tpu.memory_space<hbm>> -> memref<3280xi32, #tpu.memory_space<hbm>>
        %dma_wait3A_32 = arith.constant 96720 : i32
        %dma_wait3A_33 = tpu.memref_slice %arg2[%dma_wait3A_32] : memref<100000xi32, #tpu.memory_space<hbm>> -> memref<3280xi32, #tpu.memory_space<hbm>>
        tpu.wait_dma2 semaphore(%run_scoped3A : memref<!tpu.dma_semaphore, #tpu.memory_space<semaphore_mem>>) src(%dma_wait3A_33 : memref<3280xi32, #tpu.memory_space<hbm>>) dst(%arg7 : memref<3280xi32, #tpu.memory_space<vmem>>)
        tpu.yield
      }) : () -> ()
      "tpu.region"() ({
        %run_scoped3A = tpu.sem_alloc : memref<!tpu.dma_semaphore, #tpu.memory_space<semaphore_mem>>
        %dma_start3A = arith.constant 96720 : i32
        %dma_start3A_28 = tpu.memref_slice %arg3[%dma_start3A] : memref<100000xf32, #tpu.memory_space<hbm>> -> memref<3280xf32, #tpu.memory_space<hbm>>
        %dma_start3A_29 = arith.constant 96720 : i32
        %dma_start3A_30 = tpu.memref_slice %arg3[%dma_start3A_29] : memref<100000xf32, #tpu.memory_space<hbm>> -> memref<3280xf32, #tpu.memory_space<hbm>>
        tpu.enqueue_dma source(%dma_start3A_30 : memref<3280xf32, #tpu.memory_space<hbm>>) target(%arg8 : memref<3280xf32, #tpu.memory_space<vmem>>) target_semaphore(%run_scoped3A : memref<!tpu.dma_semaphore, #tpu.memory_space<semaphore_mem>>)
        %dma_wait3A = arith.constant 96720 : i32
        %dma_wait3A_31 = tpu.memref_slice %arg3[%dma_wait3A] : memref<100000xf32, #tpu.memory_space<hbm>> -> memref<3280xf32, #tpu.memory_space<hbm>>
        %dma_wait3A_32 = arith.constant 96720 : i32
        %dma_wait3A_33 = tpu.memref_slice %arg3[%dma_wait3A_32] : memref<100000xf32, #tpu.memory_space<hbm>> -> memref<3280xf32, #tpu.memory_space<hbm>>
        tpu.wait_dma2 semaphore(%run_scoped3A : memref<!tpu.dma_semaphore, #tpu.memory_space<semaphore_mem>>) src(%dma_wait3A_33 : memref<3280xf32, #tpu.memory_space<hbm>>) dst(%arg8 : memref<3280xf32, #tpu.memory_space<vmem>>)
        tpu.yield
      }) : () -> ()
    } else {
    }
    %barrier3A = arith.constant 0 : index
    tpu.barrier barrier_id(%barrier3A)
    %lt3A_12 = arith.constant 31 : i32
    %lt3A_13 = arith.cmpi slt, %add3A, %lt3A_12 : i32
    %convert_element_type3A_14 = arith.extui %lt3A_13 : i1 to i32
    %cond3A_15 = arith.constant 0 : i32
    %cond3A_16 = arith.cmpi ne, %convert_element_type3A_14, %cond3A_15 : i32
    scf.if %cond3A_16 {
      "tpu.region"() ({
        %run_scoped3A = tpu.sem_alloc : memref<!tpu.dma_semaphore, #tpu.memory_space<semaphore_mem>>
        %dma_start3A = arith.constant 0 : i32
        %dma_start3A_28 = tpu.memref_slice %arg10[%dma_start3A] : memref<5008xf32, #tpu.memory_space<vmem_shared>> -> memref<5008xf32, #tpu.memory_space<vmem_shared>>
        tpu.enqueue_indirect_dma source(%arg6 : memref<3120xf32, #tpu.memory_space<vmem>>) target(%dma_start3A_28 : memref<5008xf32, #tpu.memory_space<vmem_shared>>) offsets(%arg5 : memref<3120xi32, #tpu.memory_space<vmem>>) semaphore(%run_scoped3A : memref<!tpu.dma_semaphore, #tpu.memory_space<semaphore_mem>>) {add = true}
        %dma_wait3A = arith.constant 0 : i32
        %dma_wait3A_29 = tpu.memref_slice %arg10[%dma_wait3A] : memref<5008xf32, #tpu.memory_space<vmem_shared>> -> memref<5008xf32, #tpu.memory_space<vmem_shared>>
        tpu.wait_indirect_dma semaphore(%run_scoped3A : memref<!tpu.dma_semaphore, #tpu.memory_space<semaphore_mem>>) src(%arg6 : memref<3120xf32, #tpu.memory_space<vmem>>) dst(%dma_wait3A_29 : memref<5008xf32, #tpu.memory_space<vmem_shared>>)
        tpu.yield
      }) : () -> ()
    } else {
    }
    %eq3A_17 = arith.constant 31 : i32
    %eq3A_18 = arith.cmpi eq, %add3A, %eq3A_17 : i32
    %convert_element_type3A_19 = arith.extui %eq3A_18 : i1 to i32
    %cond3A_20 = arith.constant 0 : i32
    %cond3A_21 = arith.cmpi ne, %convert_element_type3A_19, %cond3A_20 : i32
    scf.if %cond3A_21 {
      "tpu.region"() ({
        %run_scoped3A = tpu.sem_alloc : memref<!tpu.dma_semaphore, #tpu.memory_space<semaphore_mem>>
        %dma_start3A = arith.constant 0 : i32
        %dma_start3A_28 = tpu.memref_slice %arg10[%dma_start3A] : memref<5008xf32, #tpu.memory_space<vmem_shared>> -> memref<5008xf32, #tpu.memory_space<vmem_shared>>
        tpu.enqueue_indirect_dma source(%arg8 : memref<3280xf32, #tpu.memory_space<vmem>>) target(%dma_start3A_28 : memref<5008xf32, #tpu.memory_space<vmem_shared>>) offsets(%arg7 : memref<3280xi32, #tpu.memory_space<vmem>>) semaphore(%run_scoped3A : memref<!tpu.dma_semaphore, #tpu.memory_space<semaphore_mem>>) {add = true}
        %dma_wait3A = arith.constant 0 : i32
        %dma_wait3A_29 = tpu.memref_slice %arg10[%dma_wait3A] : memref<5008xf32, #tpu.memory_space<vmem_shared>> -> memref<5008xf32, #tpu.memory_space<vmem_shared>>
        tpu.wait_indirect_dma semaphore(%run_scoped3A : memref<!tpu.dma_semaphore, #tpu.memory_space<semaphore_mem>>) src(%arg8 : memref<3280xf32, #tpu.memory_space<vmem>>) dst(%dma_wait3A_29 : memref<5008xf32, #tpu.memory_space<vmem_shared>>)
        tpu.yield
      }) : () -> ()
    } else {
    }
    %barrier3A_22 = arith.constant 0 : index
    tpu.barrier barrier_id(%barrier3A_22)
    %eq3A_23 = arith.constant 0 : i32
    %eq3A_24 = arith.cmpi eq, %arg1, %eq3A_23 : i32
    %convert_element_type3A_25 = arith.extui %eq3A_24 : i1 to i32
    %cond3A_26 = arith.constant 0 : i32
    %cond3A_27 = arith.cmpi ne, %convert_element_type3A_25, %cond3A_26 : i32
    scf.if %cond3A_27 {
      "tpu.region"() ({
        %run_scoped3A = tpu.sem_alloc : memref<!tpu.dma_semaphore, #tpu.memory_space<semaphore_mem>>
        %dma_start3A = arith.constant 0 : i32
        %dma_start3A_28 = tpu.memref_slice %arg4[%arg0, %dma_start3A] : memref<2x5008xf32, #tpu.memory_space<hbm>> -> memref<1x5008xf32, #tpu.memory_space<hbm>>
        %dma_start3A_29 = tpu.memref_squeeze %dma_start3A_28 : memref<1x5008xf32, #tpu.memory_space<hbm>> -> memref<5008xf32, #tpu.memory_space<hbm>>
        tpu.enqueue_dma source(%arg10 : memref<5008xf32, #tpu.memory_space<vmem_shared>>) target(%dma_start3A_29 : memref<5008xf32, #tpu.memory_space<hbm>>) target_semaphore(%run_scoped3A : memref<!tpu.dma_semaphore, #tpu.memory_space<semaphore_mem>>)
        %dma_wait3A = arith.constant 0 : i32
        %dma_wait3A_30 = tpu.memref_slice %arg4[%arg0, %dma_wait3A] : memref<2x5008xf32, #tpu.memory_space<hbm>> -> memref<1x5008xf32, #tpu.memory_space<hbm>>
        %dma_wait3A_31 = tpu.memref_squeeze %dma_wait3A_30 : memref<1x5008xf32, #tpu.memory_space<hbm>> -> memref<5008xf32, #tpu.memory_space<hbm>>
        tpu.wait_dma2 semaphore(%run_scoped3A : memref<!tpu.dma_semaphore, #tpu.memory_space<semaphore_mem>>) src(%arg10 : memref<5008xf32, #tpu.memory_space<vmem_shared>>) dst(%dma_wait3A_31 : memref<5008xf32, #tpu.memory_space<hbm>>)
        tpu.yield
      }) : () -> ()
    } else {
    }
    return
  }
}

module attributes {stable_mosaic.version = 14 : i64} {
  func.func @_dense_body(%arg0: i32, %arg1: memref<4000x128xf32, #tpu.memory_space<vmem>>, %arg2: memref<4000x128xf32, #tpu.memory_space<vmem>>, %arg3: memref<4000x128xf32, #tpu.memory_space<vmem>>, %arg4: memref<1x1x4000xf32, #tpu.memory_space<vmem>>, %arg5: memref<128x1xf32, #tpu.memory_space<vmem>>, %arg6: memref<128x1xf32, #tpu.memory_space<vmem>>, %arg7: memref<128x1xf32, #tpu.memory_space<vmem>>, %arg8: memref<1x1xf32, #tpu.memory_space<vmem>>, %arg9: memref<1x1xf32, #tpu.memory_space<vmem>>, %arg10: memref<1x1x4000xf32, #tpu.memory_space<vmem>>) attributes {dimension_semantics = [#tpu.dimension_semantics<arbitrary>], iteration_bounds = array<i64: 25>, scalar_prefetch = 0 : i64, scratch_operands = 0 : i64, tpu.core_type = #tpu.core_type<tc>, window_params = [{transform_indices = @transform_0, window_bounds = array<i64: 4000, 128>}, {transform_indices = @transform_1, window_bounds = array<i64: 4000, 128>}, {transform_indices = @transform_2, window_bounds = array<i64: 4000, 128>}, {transform_indices = @transform_3, window_bounds = array<i64: 1, 1, 4000>}, {pipeline_mode = #tpu.pipeline_mode<synchronous>, transform_indices = @transform_4, window_bounds = array<i64: 128, 1>}, {pipeline_mode = #tpu.pipeline_mode<synchronous>, transform_indices = @transform_5, window_bounds = array<i64: 128, 1>}, {pipeline_mode = #tpu.pipeline_mode<synchronous>, transform_indices = @transform_6, window_bounds = array<i64: 128, 1>}, {pipeline_mode = #tpu.pipeline_mode<synchronous>, transform_indices = @transform_7, window_bounds = array<i64: 1, 1>}, {pipeline_mode = #tpu.pipeline_mode<synchronous>, transform_indices = @transform_8, window_bounds = array<i64: 1, 1>}, {transform_indices = @transform_9, window_bounds = array<i64: 1, 1, 4000>}]} {
    %get3A = arith.constant 0 : index
    %get3A_0 = arith.constant 0 : index
    %get3A_1 = vector.load %arg1[%get3A, %get3A_0] : memref<4000x128xf32, #tpu.memory_space<vmem>>, vector<4000x128xf32>
    %get3A_2 = arith.constant 0 : index
    %get3A_3 = arith.constant 0 : index
    %get3A_4 = vector.load %arg5[%get3A_2, %get3A_3] : memref<128x1xf32, #tpu.memory_space<vmem>>, vector<128x1xf32>
    %dot_general3A = arith.constant dense<0.000000e+00> : vector<4000x1xf32>
    %dot_general3A_5 = tpu.matmul %get3A_1, %get3A_4, %dot_general3A {dimension_numbers = #tpu.dot_dimension_numbers<[1], [0], [0], [1], [0, 0, 1, 1], [], []>, transpose_lhs_hint = false} : vector<4000x128xf32>, vector<128x1xf32>, vector<4000x1xf32> -> vector<4000x1xf32>
    %get3A_6 = arith.constant 0 : index
    %get3A_7 = arith.constant 0 : index
    %get3A_8 = vector.load %arg2[%get3A_6, %get3A_7] : memref<4000x128xf32, #tpu.memory_space<vmem>>, vector<4000x128xf32>
    %get3A_9 = arith.constant 0 : index
    %get3A_10 = arith.constant 0 : index
    %get3A_11 = vector.load %arg6[%get3A_9, %get3A_10] : memref<128x1xf32, #tpu.memory_space<vmem>>, vector<128x1xf32>
    %dot_general3A_12 = arith.constant dense<0.000000e+00> : vector<4000x1xf32>
    %dot_general3A_13 = tpu.matmul %get3A_8, %get3A_11, %dot_general3A_12 {dimension_numbers = #tpu.dot_dimension_numbers<[1], [0], [0], [1], [0, 0, 1, 1], [], []>, transpose_lhs_hint = false} : vector<4000x128xf32>, vector<128x1xf32>, vector<4000x1xf32> -> vector<4000x1xf32>
    %add3A = arith.addf %dot_general3A_5, %dot_general3A_13 : vector<4000x1xf32>
    %get3A_14 = arith.constant 0 : index
    %get3A_15 = arith.constant 0 : index
    %get3A_16 = vector.load %arg3[%get3A_14, %get3A_15] : memref<4000x128xf32, #tpu.memory_space<vmem>>, vector<4000x128xf32>
    %get3A_17 = arith.constant 0 : index
    %get3A_18 = arith.constant 0 : index
    %get3A_19 = vector.load %arg7[%get3A_17, %get3A_18] : memref<128x1xf32, #tpu.memory_space<vmem>>, vector<128x1xf32>
    %dot_general3A_20 = arith.constant dense<0.000000e+00> : vector<4000x1xf32>
    %dot_general3A_21 = tpu.matmul %get3A_16, %get3A_19, %dot_general3A_20 {dimension_numbers = #tpu.dot_dimension_numbers<[1], [0], [0], [1], [0, 0, 1, 1], [], []>, transpose_lhs_hint = false} : vector<4000x128xf32>, vector<128x1xf32>, vector<4000x1xf32> -> vector<4000x1xf32>
    %add3A_22 = arith.addf %add3A, %dot_general3A_21 : vector<4000x1xf32>
    %get3A_23 = arith.constant 0 : index
    %get3A_24 = arith.constant 0 : index
    %get3A_25 = vector.load %arg8[%get3A_23, %get3A_24] : memref<1x1xf32, #tpu.memory_space<vmem>>, vector<1x1xf32>
    %get3A_26 = vector.extract %get3A_25[0, 0] : f32 from vector<1x1xf32>
    %add3A_27 = vector.broadcast %get3A_26 : f32 to vector<4000x1xf32>
    %add3A_28 = arith.addf %add3A_22, %add3A_27 : vector<4000x1xf32>
    %get3A_29 = arith.constant 0 : index
    %get3A_30 = arith.constant 0 : index
    %get3A_31 = vector.load %arg9[%get3A_29, %get3A_30] : memref<1x1xf32, #tpu.memory_space<vmem>>, vector<1x1xf32>
    %get3A_32 = vector.extract %get3A_31[0, 0] : f32 from vector<1x1xf32>
    %add3A_33 = vector.broadcast %get3A_32 : f32 to vector<4000x1xf32>
    %add3A_34 = arith.addf %add3A_28, %add3A_33 : vector<4000x1xf32>
    %reshape3A = vector.shape_cast %add3A_34 : vector<4000x1xf32> to vector<1x1x4000xf32>
    %get3A_35 = arith.constant 0 : index
    %get3A_36 = arith.constant 0 : index
    %get3A_37 = arith.constant 0 : index
    %get3A_38 = vector.load %arg4[%get3A_35, %get3A_36, %get3A_37] : memref<1x1x4000xf32, #tpu.memory_space<vmem>>, vector<1x1x4000xf32>
    %mul3A = arith.mulf %reshape3A, %get3A_38 : vector<1x1x4000xf32>
    %integer_pow3A = arith.mulf %mul3A, %mul3A : vector<1x1x4000xf32>
    %add3A_39 = arith.addf %integer_pow3A, %reshape3A : vector<1x1x4000xf32>
    %swap3A = arith.constant 0 : index
    %swap3A_40 = arith.constant 0 : index
    %swap3A_41 = arith.constant 0 : index
    %swap3A_42 = vector.load %arg10[%swap3A, %swap3A_40, %swap3A_41] : memref<1x1x4000xf32, #tpu.memory_space<vmem>>, vector<1x1x4000xf32>
    tpu.vector_store %arg10[%swap3A, %swap3A_40, %swap3A_41], %add3A_39 {strides = array<i32>} : memref<1x1x4000xf32, #tpu.memory_space<vmem>>, vector<1x1x4000xf32>,
    return
  }
  func.func @transform_0(%arg0: i32) -> (i32, i32) {
    %c0_i32 = arith.constant 0 : i32
    %c0_i32_0 = arith.constant 0 : i32
    return %arg0, %c0_i32 : i32, i32
  }
  func.func @transform_1(%arg0: i32) -> (i32, i32) {
    %c0_i32 = arith.constant 0 : i32
    %c0_i32_0 = arith.constant 0 : i32
    return %arg0, %c0_i32 : i32, i32
  }
  func.func @transform_2(%arg0: i32) -> (i32, i32) {
    %c0_i32 = arith.constant 0 : i32
    %c0_i32_0 = arith.constant 0 : i32
    return %arg0, %c0_i32 : i32, i32
  }
  func.func @transform_3(%arg0: i32) -> (i32, i32, i32) {
    %c0_i32 = arith.constant 0 : i32
    %c0_i32_0 = arith.constant 0 : i32
    %c0_i32_1 = arith.constant 0 : i32
    return %arg0, %c0_i32, %c0_i32_0 : i32, i32, i32
  }
  func.func @transform_4(%arg0: i32) -> (i32, i32) {
    %c0_i32 = arith.constant 0 : i32
    %c0_i32_0 = arith.constant 0 : i32
    %c0_i32_1 = arith.constant 0 : i32
    return %c0_i32, %c0_i32_0 : i32, i32
  }
  func.func @transform_5(%arg0: i32) -> (i32, i32) {
    %c0_i32 = arith.constant 0 : i32
    %c0_i32_0 = arith.constant 0 : i32
    %c0_i32_1 = arith.constant 0 : i32
    return %c0_i32, %c0_i32_0 : i32, i32
  }
  func.func @transform_6(%arg0: i32) -> (i32, i32) {
    %c0_i32 = arith.constant 0 : i32
    %c0_i32_0 = arith.constant 0 : i32
    %c0_i32_1 = arith.constant 0 : i32
    return %c0_i32, %c0_i32_0 : i32, i32
  }
  func.func @transform_7(%arg0: i32) -> (i32, i32) {
    %c0_i32 = arith.constant 0 : i32
    %c0_i32_0 = arith.constant 0 : i32
    %c0_i32_1 = arith.constant 0 : i32
    return %c0_i32, %c0_i32_0 : i32, i32
  }
  func.func @transform_8(%arg0: i32) -> (i32, i32) {
    %c0_i32 = arith.constant 0 : i32
    %c0_i32_0 = arith.constant 0 : i32
    %c0_i32_1 = arith.constant 0 : i32
    return %c0_i32, %c0_i32_0 : i32, i32
  }
  func.func @transform_9(%arg0: i32) -> (i32, i32, i32) {
    %c0_i32 = arith.constant 0 : i32
    %c0_i32_0 = arith.constant 0 : i32
    %c0_i32_1 = arith.constant 0 : i32
    return %arg0, %c0_i32, %c0_i32_0 : i32, i32, i32
  }
}

</mosaic_0001>

<sc_bundles>
// kernel: kernel.4.cloned.1.call-start
scs
__scs_entry_jumppad:
0x0: {  	(pc) =	sbr.rel $0x88, $3  }
0x1: {  	(tag) =	ssettag $0x0;
	lr =	simm.s32 $0x1  }
0x2: {  	[smem:$0x3F97] =	sst lr;
	_ =	strace $0xD0000000  }
0x3: {  	_ = 	snop  }
0x4: {  	_ = 	snop  }
0x5: {  	_ = 	snop  }
0x6: {  	_ = 	snop  }
0x7: {  	_ = 	snop  }
__scs_overlays_trampoline_lowered:
0x8: {  	[smem:$0x3FA6] =	sst s0  }
0x9: {  	[smem:$0x3FA7] =	sst s1  }
0xa: {  	[smem:$0x3FA8] =	sst s2  }
0xb: {  	[smem:$0x3FA9] =	sst s3  }
0xc: {  	[smem:$0x3FAA] =	sst s4  }
0xd: {  	[smem:$0x3FAB] =	sst s5  }
0xe: {  	[smem:$0x3FAC] =	sst s6  }
0xf: {  	[smem:$0x3FAD] =	sst s7  }
0x10: {  	[smem:$0x3FAE] =	sst s8  }
0x11: {  	[smem:$0x3FAF] =	sst s9;
	s0 =	simm.s32 @!p0 $0x0  }
0x12: {  	s1 =	sld [smem:$0x3F95];
	s0 =	simm.s32 @p0 $0x1  }
0x13: {  	[smem:$0x3FB0] =	sst s0;
	s0 =	simm.s32 @!p1 $0x0  }
0x14: {  	s2 =	sld [smem:$0x3F94];
	s0 =	simm.s32 @p1 $0x1  }
0x15: {  	[smem:$0x3FB1] =	sst s0;
	s0 =	simm.s32 @!p2 $0x0  }
0x16: {  	s3 =	sld [smem:$0x3FDB];
	s0 =	simm.s32 @p2 $0x1  }
0x17: {  	s4 =	simm.s32 $0x1BF5;
	[smem:$0x3FB3] =	sst s0  }
0x18: {  	s0 =	sld [smem:$0x3F96];
	_ =	swait.ge [sflag:s4], $0x0  }
0x19: {  	s7 =	sld [smem:$0x3F97]  }
0x1a: {  	s8 =	sadd.s32 $0xFFFFE003, lr  }
0x1b: {  	s9 =	sadd.s32 $0xFFFFFEF7, lr;
	s5 =	simm.s32 $0xFFFFFFFF;
	p2 =	slt.u32 s8, $0xFFFFF086  }
0x1c: {  	p1 =	slt.u32 s9, $0xF7A;
	s5 =	simm.s32 @!p2 $0x0  }
0x1d: {  	s5 =	simm.s32 @p1 $0x1;
	p0 =	seq.s32 s7, s2  }
0x1e: {  	s7 =	smul.u32 @!p0 $0xF7A, s2;
	p2 =	seq.s32 @!p0 s5, $0x0  }
0x1f: {  	s9 =	smul.u32 $0xF7A, s1;
	s8 =	simm.s32 @!p0 $0x1BF5;
	p2 =	por !p2, p0  }
0x20: {  	[sflag:s8] =	ssyncset.s32 @!p0 $0xFFFFF086;
	s6 =	sadd.s32 @!p0 s3, s7;
	s7 =	simm.s32 @!p0 $0x108  }
0x21: {  	s3 =	sadd.s32 s3, s9;
	s6 =	sadd.s32 @!p0 $0x88, s6;
	s7 =	simm.s32 @p2 $0x1082  }
0x22: {  	[simem:s7], [sflag:s8] =	dma.local @!p0 [hbm:s6], $0xF7A  }
0x23: {  	s9 =	sor.u32 $0xD0000000, s2;
	s6 =	simm.s32 $0x108;
	_ =	swait.ge @!p0 [sflag:s8], $0x0  }
0x24: {  	s3 =	sadd.s32 $0x88, s3;
	s6 =	simm.s32 @!p1 $0x1082;
	[sflag:s4] =	ssyncset.s32 $0xFFFFF086  }
0x25: {  	[simem:s6], [sflag:s4] =	dma.local [hbm:s3], $0xF7A  }
0x26: {  	[smem:$0x3F97] =	sst s1;
	(tag) =	ssettag s2;
	_ =	strace s9  }
0x27: {  	s1 =	sld [smem:$0x3FA7]  }
0x28: {  	s2 =	sld [smem:$0x3FA8]  }
0x29: {  	s4 =	sld [smem:$0x3FAA]  }
0x2a: {  	p0 =	seq.s32 s5, $0x0;
	s5 =	sld [smem:$0x3FAB]  }
0x2b: {  	s6 =	sld [smem:$0x3FAC]  }
0x2c: {  	s7 =	sld [smem:$0x3FAD]  }
0x2d: {  	s3 =	simm.s32 $0x108;
	s8 =	sld [smem:$0x3FAE]  }
0x2e: {  	s3 =	simm.s32 @!p0 $0x1082;
	s9 =	sld [smem:$0x3FAF]  }
0x2f: {  	lr =	sadd.s32 s0, s3;
	s0 =	sld [smem:$0x3FA6]  }
0x30: {  	s3 =	sld [smem:$0x3FA9]  }
0x31: {  	[smem:$0x3FB2] =	sst s10  }
0x32: {  	s10 =	sld [smem:$0x3FB0];
	_ =	sdelay $0x3  }
0x33: {  	p0 =	seq.s32 s10, $0x1;
	s10 =	sld [smem:$0x3FB2];
	_ =	sdelay $0x3  }
0x34: {  	[smem:$0x3FB2] =	sst s10  }
0x35: {  	s10 =	sld [smem:$0x3FB1];
	_ =	sdelay $0x3  }
0x36: {  	p1 =	seq.s32 s10, $0x1;
	s10 =	sld [smem:$0x3FB2];
	_ =	sdelay $0x3  }
0x37: {  	[smem:$0x3FB2] =	sst s10  }
0x38: {  	s10 =	sld [smem:$0x3FB3]  }
0x39: {  	_ = 	snop;
	(pc) =	sbr.ind lr, $3  }
0x3a: {  	_ = 	snop  }
0x3b: {  	_ = 	snop  }
0x3c: {  	p2 =	seq.s32 s10, $0x1;
	s10 =	sld [smem:$0x3FB2]  }
0x3d: {  	_ =	shalt  }
0x3e: {  	_ =	shalt  }
0x3f: {  	_ =	shalt  }
0x40: {  	_ =	shalt  }
0x41: {  	_ =	shalt  }
0x42: {  	_ =	shalt  }
0x43: {  	_ =	shalt  }
0x44: {  	_ =	shalt  }
0x45: {  	_ =	shalt  }
0x46: {  	_ =	shalt  }
0x47: {  	_ =	shalt  }
0x48: {  	_ =	shalt  }
0x49: {  	_ =	shalt  }
0x4a: {  	_ =	shalt  }
0x4b: {  	_ =	shalt  }
0x4c: {  	_ =	shalt  }
0x4d: {  	_ =	shalt  }
0x4e: {  	_ =	shalt  }
0x4f: {  	_ =	shalt  }
0x50: {  	_ =	shalt  }
0x51: {  	_ =	shalt  }
0x52: {  	_ =	shalt  }
0x53: {  	_ =	shalt  }
0x54: {  	_ =	shalt  }
0x55: {  	_ =	shalt  }
0x56: {  	_ =	shalt  }
0x57: {  	_ =	shalt  }
0x58: {  	_ =	shalt  }
0x59: {  	_ =	shalt  }
0x5a: {  	_ =	shalt  }
0x5b: {  	_ =	shalt  }
0x5c: {  	_ =	shalt  }
0x5d: {  	_ =	shalt  }
0x5e: {  	_ =	shalt  }
0x5f: {  	_ =	shalt  }
0x60: {  	_ =	shalt  }
0x61: {  	_ =	shalt  }
0x62: {  	_ =	shalt  }
0x63: {  	_ =	shalt  }
0x64: {  	_ =	shalt  }
0x65: {  	_ =	shalt  }
0x66: {  	_ =	shalt  }
0x67: {  	_ =	shalt  }
0x68: {  	_ =	shalt  }
0x69: {  	_ =	shalt  }
0x6a: {  	_ =	shalt  }
0x6b: {  	_ =	shalt  }
0x6c: {  	_ =	shalt  }
0x6d: {  	_ =	shalt  }
0x6e: {  	_ =	shalt  }
0x6f: {  	_ =	shalt  }
0x70: {  	_ =	shalt  }
0x71: {  	_ =	shalt  }
0x72: {  	_ =	shalt  }
0x73: {  	_ =	shalt  }
0x74: {  	_ =	shalt  }
0x75: {  	_ =	shalt  }
0x76: {  	_ =	shalt  }
0x77: {  	_ =	shalt  }
0x78: {  	_ =	shalt  }
0x79: {  	_ =	shalt  }
0x7a: {  	_ =	shalt  }
0x7b: {  	_ =	shalt  }
0x7c: {  	_ =	shalt  }
0x7d: {  	_ =	shalt  }
0x7e: {  	_ =	shalt  }
0x7f: {  	_ =	shalt  }
0x80: {  	_ =	shalt  }
0x81: {  	_ =	shalt  }
0x82: {  	_ =	shalt  }
0x83: {  	_ =	shalt  }
0x84: {  	_ =	shalt  }
0x85: {  	_ =	shalt  }
0x86: {  	_ =	shalt  }
0x87: {  	_ =	shalt  }
.Lfunc_end0:
.L_simem_size_0:
called_computation_lowered:
.L_overlay_start_0:
0x88: {  	s2 =	sld [smem:$0x3FD9]  }
0x89: {  	s3 =	sld [smem:$0x3FFE];
	_ =	sdelay $0x1  }
0x8a: {  	s1 =	srdreg.scid  }
0x8b: {  	s0 =	sand.u32 $0x1, s1  }
0x8c: {  	s17 =	sshll.u32 s0, $0xA;
	s2 =	sadd.s32 s3, s2  }
0x8d: {  	s2 =	sadd.s32 s2, s17  }
0x8e: {  	[smem:$0x3FBE] =	sst s2  }
0x8f: {  	_ = 	snop  }
0x90: {  	s2 =	sld [smem:$0x3FC0];
	(tm) =	ssettm $0x1  }
0x91: {  	s18 =	sld [smem:$0x3FFB];
	_ =	sdelay $0x3  }
0x92: {  	_ =	strace s18  }
0x93: {  	s3 =	sld [smem:$0x3FFC];
	_ =	sdelay $0x3  }
0x94: {  	_ =	strace s3  }
0x95: {  	s3 =	sld [smem:$0x3FFD];
	_ =	sdelay $0x3  }
0x96: {  	_ =	strace s3  }
0x97: {  	_ =	strace $0x8FFFFFFF  }
0x98: {  	s19 =	sld [smem:$0x3FDB];
	_ =	sdelay $0x1  }
0x99: {  	s4 =	simm.s32 $_scs_section_size  }
0x9a: {  	s5 =	simm.s32 $_size__tile_overlayer_lowered;
	s6 =	simm.s32 $_tile_overlayer_lowered  }
0x9b: {  	s22 =	simm.s32 $0x1BFF;
	s21 =	sshll.u32 s6, $0x1;
	s3 =	sadd.s32 s4, s19  }
0x9c: {  	s7 =	simm.s32 $0x0;
	s20 =	sshll.u32 s5, $0x1;
	s5 =	sadd.s32 s21, s3  }
0x9d: {  	[timem:s7], [sflag:s22] =	dma.local [hbm:s5], s20  }
0x9e: {  	_ =	swait.ge [sflag:s22], s20  }
0x9f: {  	s4 =	ssub.s32 $0x0, s20;
	[sflag:s22] =	ssyncset.done $0x0  }
0xa0: {  	[sflag:s22] =	ssyncadd.s32 s4;
	_ =	sdelay $0x1  }
0xa1: {  	s23 =	simm.s32 $0x1B8B  }
0xa2: {  	_ =	swait.ge [sflag:s23], $0x1  }
0xa3: {  	[sflag:s23] =	ssyncset.done $0x0  }
0xa4: {  	s25 =	simm.s32 $0x1B8E;
	s24 =	sld [smem:$0x3FFE];
	[sflag:s23] =	ssyncadd.s32 $0xFFFFFFFF  }
0xa5: {  	s26 =	simm.s32 $execute0_lowered;
	[smem:$0x3FD2] =	sst s25  }
0xa6: {  	s5 =	sshll.u32 s26, $0x1;
	_ =	strace $0x80000046;
	[dreg:$0x1] =	wrdreg $0xFFFFFFFF  }
0xa7: {  	s28 =	simm.s32 $_size_execute0_lowered;
	s3 =	sadd.s32 s3, s5;
	[dreg:$0x0] =	wrdreg $0x0  }
0xa8: {  	s5 =	sshll.u32 s28, $0x1;
	[dreg:$0x2] =	wrdreg s3  }
0xa9: {  	[dreg:$0x3] =	wrdreg s5  }
0xaa: {  	[dreg:$0x4] =	wrdreg $0xC0  }
0xab: {  	_ =	task [dreg:s7], $0x5FFFF  }
0xac: {  	[dreg:$0x1] =	wrdreg $0xFFFFFFFF  }
0xad: {  	[dreg:$0x0] =	wrdreg $0x60  }
0xae: {  	[dreg:$0x2] =	wrdreg s2  }
0xaf: {  	[dreg:$0x3] =	wrdreg s24  }
0xb0: {  	[dreg:$0x4] =	wrdreg $0x47000  }
0xb1: {  	[dreg:$0x5] =	wrdreg $0x9  }
0xb2: {  	_ =	task.clear_ibuf [dreg:s7], $0x6FFFF;
	_ =	strace $0x90000046  }
0xb3: {  	s29 =	simm.s32 $0x9;
	_ =	strace $0x80000048  }
0xb4: {  	_ =	swait.ge [sflag:s29], $0x1  }
0xb5: {  	[sflag:s29] =	ssyncadd.s32 $0xFFFFFFFF  }
0xb6: {  	_ =	strace $0x90000048  }
0xb7: {  	_ =	sfence  }
0xb8: {  	s30 =	sld [smem:$0x0];
	_ =	sdelay $0x2  }
0xb9: {  	s31 =	sshll.u32 s1, $0xD;
	s1 =	sshrl.u32 s1, $0x2  }
0xba: {  	s3 =	sand.u32 $0x4000, s31;
	s1 =	sadd.s32 s1, s30  }
0xbb: {  	s0 =	sor.u32 s3, s0;
	s1 =	sshll.u32 s1, $0x11  }
0xbc: {  	s0 =	sor.u32 s1, s0  }
0xbd: {  	s0 =	sadd.s32 $0x8F2B, s0  }
0xbe: {  	[sflag:s0] =	ssyncadd.remote.s32 $0x1  }
0xbf: {  	_ =	sfence.sel $0xFFFF  }
0xc0: {  	[dreg:$0x0] =	wrdreg $0xFFFFFFFF;
	(pc) =	sbr.abs _section_cstart, $3  }
0xc1: {  	[dreg:$0x1] =	wrdreg $0xFFFFFFFF  }
0xc2: {  	_ =	task.clear_ibuf [dreg:s7], $0x2FFFF;
	_ =	strace $0x9FFFFFFF  }
0xc3: {  	(tm) =	ssettm $0x7FFFFFFF  }
tec
execute0_lowered:
.L_overlay_start_1:
0x0: {  	(tag) =	ssettag $0x1  }
0x1: {  	s5 =	rddreg [dreg:$0x0]  }
0x2: {  	s0 =	srdreg.scid;
	s6 =	rddreg [dreg:$0x1]  }
0x3: {  	s1 =	rddreg [dreg:$0x2];
	s9 =	stileid.u32;
	s3 =	sand.u32 $0x1, s0  }
0x4: {  	s2 =	simm.s32 $0x0;
	s0 =	rddreg [dreg:$0x3];
	s4 =	sshll.u32 s3, $0x4  }
0x5: {  	[smem:$0x7FF] =	sst s2;
	s11 =	sor.u32 s9, s4  }
0x6: {  	p0 =	sne.s32 s9, $0x0;
	s3 =	ssub.s32 $0x2, s3;
	s7 =	smul.u32 $0x186, s11  }
.Ltmp0:
0x7: {  	_ =	strace $0x80000047;
	s31 =	sshrl.u32 s3, $0x1;
	(pc) =	sbr.rel .LBB2_1-.Ltmp0, $4  }
0x8: {  	s8 =	sadd.s32 s4, s6;
	s9 =	simm.s32 $0x3300;
	s10 =	ssub.s32 s3, s31  }
0x9: {  	p1 =	seq.s32 s11, $0x1F;
	s11 =	sshrl.u32 @!p0 s1, $0x3;
	s3 =	sadd.s32 s5, s7  }
0xa: {  	s4 =	sadd.s32 s6, s7;
	s5 =	sadd.s32 $0x2F3A, s5;
	s6 =	sadd.s32 $0x2F3A, s6  }
0xb: {  	v0 =	vimm.f32 $0.0e+00;
	s7 =	sadd.s32 $0x3200, s8;
	s8 =	smax.u32 s10, $0x1;
	s10 =	simm.s32 $0x1  }
.LBB2_5:
0xc: {  	s12 =	simm.s32 @p1 $0x0;
	s13 =	simm.s32 @p1 $0x1900;
	s14 =	simm.s32 @p1 $0x1  }
0xd: {  	[tilespmem:s13], [sflag:$0x1] =	stream.linear.gather @p1 [hbm4b:s5+s12], $0xCD0, $0x38;
	[tilespmem:$0x4840] =	vst v63  }
0xe: {  	_ =	swait.ge @p1 [sflag:s14], $0xCD0  }
0xf: {  	[sflag:s14] =	ssyncset.done @p1 $0x0  }
0x10: {  	s15 =	simm.s32 @p1 $0x2600;
	[sflag:s14] =	ssyncadd.s32 @p1 $0xFFFFF330  }
0x11: {  	[tilespmem:s15], [sflag:$0x1] =	stream.linear.gather @p1 [hbm4b:s6+s12], $0xCD0, $0x38;
	[tilespmem:$0x4840] =	vst v63  }
0x12: {  	_ =	swait.ge @p1 [sflag:s14], $0xCD0  }
0x13: {  	[sflag:s14] =	ssyncset.done @p1 $0x0  }
0x14: {  	[sflag:s14] =	ssyncadd.s32 @p1 $0xFFFFF330  }
0x15: {  	s12 =	simm.s32 @p1 $0xCD0;
	[bflag:$0x0] =	sbarrier.arrive @p1 $0xFFFF  }
0x16: {  	[spmem:s1] =	stream.indirect.scatter.add.f32 @p1 [tilespmem:s15], [sflag:$0x1], $0x1, s13, s12, $0xb8;
	[tilespmem:$0x4840] =	vst v63  }
0x17: {  	_ =	swait.ge @p1 [sflag:s14], $0xCD0  }
0x18: {  	[sflag:s14] =	ssyncset.done @p1 $0x0  }
0x19: {  	s12 =	simm.s32 @!p1 $0x0;
	s13 =	simm.s32 @!p1 $0x1;
	[sflag:s14] =	ssyncadd.s32 @p1 $0xFFFFF330  }
0x1a: {  	[tilespmem:s12], [sflag:$0x1] =	stream.linear.gather @!p1 [hbm4b:s3+s12], $0xC30, $0x38;
	[tilespmem:$0x4840] =	vst v63  }
0x1b: {  	_ =	swait.ge @!p1 [sflag:s13], $0xC30  }
0x1c: {  	[sflag:s13] =	ssyncset.done @!p1 $0x0  }
0x1d: {  	s14 =	simm.s32 @!p1 $0xC80;
	[sflag:s13] =	ssyncadd.s32 @!p1 $0xFFFFF3D0  }
0x1e: {  	[tilespmem:s14], [sflag:$0x1] =	stream.linear.gather @!p1 [hbm4b:s4+s12], $0xC30, $0x38;
	[tilespmem:$0x4840] =	vst v63  }
0x1f: {  	_ =	swait.ge @!p1 [sflag:s13], $0xC30  }
0x20: {  	[sflag:s13] =	ssyncset.done @!p1 $0x0  }
0x21: {  	[sflag:s13] =	ssyncadd.s32 @!p1 $0xFFFFF3D0  }
0x22: {  	s15 =	simm.s32 @!p1 $0xC30;
	[bflag:$0x0] =	sbarrier.arrive @!p1 $0xFFFF  }
0x23: {  	[spmem:s1] =	stream.indirect.scatter.add.f32 @!p1 [tilespmem:s14], [sflag:$0x1], $0x1, s12, s15, $0xb8;
	[tilespmem:$0x4840] =	vst v63  }
0x24: {  	s2 =	sadd.s32 $0x1, s2;
	_ =	swait.ge @!p1 [sflag:s13], $0xC30  }
0x25: {  	p2 =	sne.s32 s2, s8;
	s12 =	simm.s32 @!p0 $0x1;
	[sflag:s13] =	ssyncset.done @!p1 $0x0  }
0x26: {  	s14 =	simm.s32 @!p0 $0x10;
	s15 =	simm.s32 @!p0 $0x1C01;
	[sflag:s13] =	ssyncadd.s32 @!p1 $0xFFFFF3D0  }
.Ltmp1:
0x27: {  	s13 =	simm.s32 @!p0 $0x20;
	[bflag:$0x0] =	sbarrier.arrive $0xFFFF;
	(pc) =	sbr.rel @!p2 .LBB2_6-.Ltmp1, $4  }
0x28: {  	[hbm:s7@s13], [sflag:s15] =	dma.strided @!p0 [spmem:s11@s14], $0x280, s12, $0x10   }
0x29: {  	_ =	swait.ge @!p0 [sflag:s12], $0x280  }
0x2a: {  	[sflag:s12] =	ssyncset.done @!p0 $0x0  }
0x2b: {  	[sflag:s12] =	ssyncadd.s32 @!p0 $0xFFFFFD80  }
.LBB2_1:
.Ltmp2:
0x2c: {  	(pc) =	sbr.rel @p0 .LBB2_5-.Ltmp2, $1  }
0x2d: {  	_ =	sdelay $0x3  }
0x2e: {  	s12 =	simm.s32 $0x40;
	s13 =	simm.s32 $0x0  }
.LBB2_3:
0x2f: {  	p2 =	sne.s32 s12, $0x4E00;
	[tilespmem:s13+$0x3300] =	vst v0;
	s13 =	smov.u32 s12;
	s12 =	sadd.s32 $0x40, s12  }
.Ltmp3:
0x30: {  	(pc) =	sbr.rel @p2 .LBB2_3-.Ltmp3, $2  }
0x31: {  	_ =	sdelay $0x2  }
0x32: {  	s13 =	sshra.s32 s13, $0x2  }
.Ltmp4:
0x33: {  	[tilespmem:s13+$0x3300] =	vst v0;
	(pc) =	sbr.rel .LBB2_5-.Ltmp4, $4  }
0x34: {  	[spmem:s1] =	stream.linear.scatter [tilespmem:s9], [sflag:$0x1], $0x1400, $0x38;
	[tilespmem:$0x4840] =	vst v63  }
0x35: {  	_ =	swait.ge [sflag:s10], $0x1400  }
0x36: {  	[sflag:s10] =	ssyncset.done $0x0  }
0x37: {  	[sflag:s10] =	ssyncadd.s32 $0xFFFFEC00  }
.LBB2_6:
0x38: {  	_ =	sfence.sel $0x180000  }
0x39: {  	[bflag:$0x0] =	sbarrier.arrive $0xFFFF  }
0x3a: {  	_ =	strace $0x90000047  }
0x3b: {  	s0 =	sadd.s32 @!p0 $0x100000, s0;
	[bflag:$0x2] =	sbarrier.arrive $0xFFFF  }
0x3c: {  	[sflag:s0] =	ssyncadd.tile.s32 @!p0 $0x1;
	_ =	shalt  }
.Lfunc_end2:
_tile_overlayer_lowered:
.L_overlay_start_2:
0x3d: {  	(tag) =	ssettag $0x2  }
0x3e: {  	s0 =	rddreg [dreg:$0x0];
	s2 =	stileid.u32  }
0x3f: {  	s1 =	rddreg [dreg:$0x1];
	p0 =	sne.s32 s2, $0x0  }
0x40: {  	s3 =	rddreg [dreg:$0x2];
	[bflag:$0x3] =	sbarrier.arrive $0xFFFF;
	s2 =	simm.s32 @!p0 $0x1C01  }
0x41: {  	[timem:s3], [sflag:s2] =	dma.local @!p0 [hbm:s0], s1  }
0x42: {  	s0 =	simm.s32 @!p0 $0x1  }
0x43: {  	_ =	swait.ge @!p0 [sflag:s0], s1  }
0x44: {  	s1 =	ssub.s32 @!p0 $0x0, s1;
	[sflag:s0] =	ssyncset.done @!p0 $0x0  }
0x45: {  	[sflag:s0] =	ssyncadd.s32 @!p0 s1  }
0x46: {  	[bflag:$0x3] =	sbarrier.arrive $0xFFFF  }
0x47: {  	_ =	shalt  }

</sc_bundles>
